<compile_context>
chip_gen: v7x
topology: tpu7x:2x2x1
jax: 0.10.2.dev20260603
libtpu: 0.0.44.dev20260713+nightly
codegen_flags: <defaults>
</compile_context>

<pallas_src>
import functools

import jax
import jax.numpy as jnp
from jax.experimental import pallas as pl
from jax.experimental.pallas import tpu as pltpu
from jax.experimental.pallas import tpu_sc as plsc

T = 2048
H = 768
MSW = 30
FEAT = 20
UH = 1024
NC = 10240
SPAN_DIM = 3 * H + FEAT
NUM_TOP = int(min(3900, T * 0.4))

BLK = 512
NBLK = NC // BLK


_SC_NC = 2
_SC_NS = 16
_SC_NW = _SC_NC * _SC_NS
_GB = 2 * NC
_BPW = _GB // _SC_NW
_GCH = 128


def _sc_gather_kernel(table_hbm, idx_hbm, out_hbm, idx_v, rows_v, sem):
    wid = jax.lax.axis_index("s") * _SC_NC + jax.lax.axis_index("c")
    base = wid * _BPW

    def body(i, carry):
        off = base + i * _GCH
        pltpu.sync_copy(idx_hbm.at[pl.ds(off, _GCH)], idx_v)
        pltpu.async_copy(table_hbm.at[idx_v], rows_v, sem).wait()
        pltpu.sync_copy(rows_v, out_hbm.at[pl.ds(off, _GCH)])
        return carry

    jax.lax.fori_loop(0, _BPW // _GCH, body, 0)


def _precompute_kernel(hs_ref, wa_ref, ba_ref, prior_ref, wp1_ref, bp1_ref,
                       wp2_ref, bp2_ref, ta_ref, ws_ref):
    ta = jnp.dot(hs_ref[...], wa_ref[...]) + ba_ref[0, 0]
    ta_ref[...] = ta
    h1 = jnp.maximum(jnp.dot(prior_ref[...], wp1_ref[...]) + bp1_ref[...], 0.0)
    ws_ref[...] = jnp.dot(h1, wp2_ref[...]) + bp2_ref[0, 0]


def _span_block_kernel(hid_ref, ta_ref, s_ref, e_ref, semb_ref, eemb_ref,
                       wemb_ref, w1_ref, b1_ref, w2_ref, b2_ref, ws_ref,
                       span_out, score_out):
    s = s_ref[0, 0, :]
    e = e_ref[0, 0, :]
    pos = jax.lax.broadcasted_iota(jnp.int32, (BLK, T), 1)
    mask = (pos >= s[:, None]) & (pos <= e[:, None])
    ta_row = ta_ref[0, :][None, :]
    logits = jnp.where(mask, ta_row, -jnp.inf)
    TH = T // 2
    l0 = logits[:, :TH]
    l1 = logits[:, TH:]
    bf16 = jnp.bfloat16
    f32 = jnp.float32
    m0 = jnp.max(l0, axis=1, keepdims=True)
    p0 = jnp.exp(l0 - m0)
    den = jnp.sum(p0, axis=1, keepdims=True)
    acc = jnp.dot(p0.astype(bf16), hid_ref[:TH, :].astype(bf16),
                  preferred_element_type=f32)
    m1 = jnp.max(l1, axis=1, keepdims=True)
    mn = jnp.maximum(m0, m1)
    alpha = jnp.exp(m0 - mn)
    p1 = jnp.exp(l1 - mn)
    den = den * alpha + jnp.sum(p1, axis=1, keepdims=True)
    acc = acc * alpha + jnp.dot(p1.astype(bf16), hid_ref[TH:, :].astype(bf16),
                                preferred_element_type=f32)
    attended = acc / den
    span_emb = jnp.concatenate(
        [semb_ref[...], eemb_ref[...], wemb_ref[...], attended], axis=1)
    span_out[...] = span_emb
    z = jnp.maximum(
        jnp.dot(span_emb.astype(bf16), w1_ref[...].astype(bf16),
                preferred_element_type=f32) + b1_ref[...], 0.0)
    sc = jnp.dot(z.astype(bf16), w2_ref[...].astype(bf16),
                 preferred_element_type=f32)[:, 0] + b2_ref[0, 0]
    w = e - s
    oh = (w[:, None] == jax.lax.broadcasted_iota(jnp.int32, (BLK, 32), 1))
    wsv = jax.lax.dot_general(
        oh.astype(jnp.float32), ws_ref[...],
        (((1,), (1,)), ((), ())), precision=jax.lax.Precision.HIGHEST)[:, 0]
    score_out[0, 0, :] = sc + wsv


def kernel(hidden_states, candidate_starts, candidate_ends, speaker_ids,
           W_attn, b_attn, W1, b1, W2, b2, Wp1, bp1, Wp2, bp2,
           emb_span_width, emb_span_width_prior):
    f32 = jnp.float32

    ta, ws = pl.pallas_call(
        _precompute_kernel,
        out_shape=(jax.ShapeDtypeStruct((T, 1), f32),
                   jax.ShapeDtypeStruct((MSW, 1), f32)),
    )(hidden_states, W_attn, b_attn.reshape(1, 1), emb_span_width_prior,
      Wp1, bp1.reshape(1, UH), Wp2, bp2.reshape(1, 1))

    ta_row = ta.reshape(1, T)
    ws_row = jnp.zeros((1, 32), f32).at[0, :MSW].set(ws[:, 0])

    widths = candidate_ends - candidate_starts
    emb2 = pl.kernel(
        _sc_gather_kernel,
        mesh=plsc.VectorSubcoreMesh(core_axis_name="c", subcore_axis_name="s"),
        out_type=jax.ShapeDtypeStruct((_GB, H), f32),
        scratch_types=[
            pltpu.VMEM((_GCH,), jnp.int32),
            pltpu.VMEM((_GCH, H), f32),
            pltpu.SemaphoreType.DMA,
        ],
    )(hidden_states, jnp.concatenate([candidate_starts, candidate_ends]))
    start_emb = emb2[:NC]
    end_emb = emb2[NC:]
    width_emb = emb_span_width[widths]

    starts3 = candidate_starts.reshape(NBLK, 1, BLK)
    ends3 = candidate_ends.reshape(NBLK, 1, BLK)

    span_emb, scores3 = pl.pallas_call(
        _span_block_kernel,
        grid=(NBLK,),
        in_specs=[
            pl.BlockSpec((T, H), lambda i: (0, 0)),
            pl.BlockSpec((1, T), lambda i: (0, 0)),
            pl.BlockSpec((1, 1, BLK), lambda i: (i, 0, 0)),
            pl.BlockSpec((1, 1, BLK), lambda i: (i, 0, 0)),
            pl.BlockSpec((BLK, H), lambda i: (i, 0)),
            pl.BlockSpec((BLK, H), lambda i: (i, 0)),
            pl.BlockSpec((BLK, FEAT), lambda i: (i, 0)),
            pl.BlockSpec((SPAN_DIM, UH), lambda i: (0, 0)),
            pl.BlockSpec((1, UH), lambda i: (0, 0)),
            pl.BlockSpec((UH, 1), lambda i: (0, 0)),
            pl.BlockSpec((1, 1), lambda i: (0, 0)),
            pl.BlockSpec((1, 32), lambda i: (0, 0)),
        ],
        out_specs=[
            pl.BlockSpec((BLK, SPAN_DIM), lambda i: (i, 0)),
            pl.BlockSpec((1, 1, BLK), lambda i: (i, 0, 0)),
        ],
        out_shape=(jax.ShapeDtypeStruct((NC, SPAN_DIM), f32),
                   jax.ShapeDtypeStruct((NBLK, 1, BLK), f32)),
    )(hidden_states, ta_row, starts3, ends3, start_emb, end_emb, width_emb,
      W1, b1.reshape(1, UH), W2, b2.reshape(1, 1), ws_row)

    span_scores = scores3.reshape(NC)

    _, pruned_span_indices = jax.lax.top_k(span_scores, NUM_TOP)
    pruned_span_starts = candidate_starts[pruned_span_indices]
    pruned_span_ends = candidate_ends[pruned_span_indices]
    pruned_span_emb = span_emb[pruned_span_indices]
    pruned_span_scores = span_scores[pruned_span_indices]
    pruned_span_speaker_ids = speaker_ids[pruned_span_starts]
    return (span_emb, pruned_span_indices, pruned_span_starts,
            pruned_span_ends, pruned_span_emb, pruned_span_scores,
            pruned_span_speaker_ids)

# --- scband reference (transcript-rebuilt; emitter-appended) ---
"""Pipeline reference for scband-span-pruner-mangoes-3444563771561 (READ-ONLY COPY).

The authoritative reference and input builder live on the scoring server;
editing this copy changes nothing except your own understanding.
"""

import jax, jax.numpy as jnp
import numpy as np

T = 2048
H = 768
MSW = 30
FEAT = 20
UH = 1024
NC = 10240
SPAN_DIM = 3 * H + FEAT
NUM_TOP = int(min(3900, T * 0.4))


def setup_inputs(seed: int = 0) -> dict:
    key = jax.random.key(seed)
    ks = jax.random.split(key, 16)
    hidden_states = jax.random.normal(ks[0], (T, H), dtype=jnp.float32)
    candidate_starts = jnp.sort(jax.random.randint(ks[1], (NC,), 0, T - MSW, dtype=jnp.int32))
    widths = jax.random.randint(ks[2], (NC,), 0, MSW, dtype=jnp.int32)
    candidate_ends = candidate_starts + widths  # guarantees start <= end and width < MSW
    speaker_ids = jax.random.randint(ks[3], (T,), 0, 20, dtype=jnp.int32)
    s = 0.02
    W_attn = s * jax.random.normal(ks[4], (H, 1), dtype=jnp.float32)
    b_attn = jnp.zeros((1,), dtype=jnp.float32)
    W1 = s * jax.random.normal(ks[5], (SPAN_DIM, UH), dtype=jnp.float32)
    b1 = jnp.zeros((UH,), dtype=jnp.float32)
    W2 = s * jax.random.normal(ks[6], (UH, 1), dtype=jnp.float32)
    b2 = jnp.zeros((1,), dtype=jnp.float32)
    Wp1 = s * jax.random.normal(ks[7], (FEAT, UH), dtype=jnp.float32)
    bp1 = jnp.zeros((UH,), dtype=jnp.float32)
    Wp2 = s * jax.random.normal(ks[8], (UH, 1), dtype=jnp.float32)
    bp2 = jnp.zeros((1,), dtype=jnp.float32)
    emb_span_width = s * jax.random.normal(ks[9], (MSW, FEAT), dtype=jnp.float32)
    emb_span_width_prior = s * jax.random.normal(ks[10], (MSW, FEAT), dtype=jnp.float32)
    return {
        'hidden_states': hidden_states,
        'candidate_starts': candidate_starts,
        'candidate_ends': candidate_ends,
        'speaker_ids': speaker_ids,
        'W_attn': W_attn, 'b_attn': b_attn,
        'W1': W1, 'b1': b1, 'W2': W2, 'b2': b2,
        'Wp1': Wp1, 'bp1': bp1, 'Wp2': Wp2, 'bp2': bp2,
        'emb_span_width': emb_span_width,
        'emb_span_width_prior': emb_span_width_prior,
    }


def reference(hidden_states, candidate_starts, candidate_ends, speaker_ids,
              W_attn, b_attn, W1, b1, W2, b2, Wp1, bp1, Wp2, bp2,
              emb_span_width, emb_span_width_prior):
    # --- get_span_embeddings (eval mode: dropout disabled) ---
    start_emb = hidden_states[candidate_starts]
    end_emb = hidden_states[candidate_ends]
    span_width_index = candidate_ends - candidate_starts  # width - 1
    span_width_emb = emb_span_width[span_width_index]
    # attention over tokens inside each span
    document_range = jnp.arange(T)[None, :]
    token_mask = (document_range >= candidate_starts[:, None]) & (document_range <= candidate_ends[:, None])
    token_atten = (hidden_states @ W_attn + b_attn).squeeze(1)[None, :]
    logits = jnp.log(token_mask.astype(jnp.float32)) + token_atten
    token_attn = jax.nn.softmax(logits, axis=1)
    attended = token_attn @ hidden_states
    span_emb = jnp.concatenate([start_emb, end_emb, span_width_emb, attended], axis=1)
    # --- span scorer ---
    span_scores = (jax.nn.relu(span_emb @ W1 + b1) @ W2 + b2).squeeze(1)
    # --- width prior scorer ---
    prior_emb = emb_span_width_prior[span_width_index]
    width_scores = (jax.nn.relu(prior_emb @ Wp1 + bp1) @ Wp2 + bp2).squeeze(1)
    span_scores = span_scores + width_scores
    # --- prune: top-k spans by score (Utils.extract_spans) ---
    _, pruned_span_indices = jax.lax.top_k(span_scores, NUM_TOP)
    pruned_span_starts = candidate_starts[pruned_span_indices]
    pruned_span_ends = candidate_ends[pruned_span_indices]
    pruned_span_emb = span_emb[pruned_span_indices]
    pruned_span_scores = span_scores[pruned_span_indices]
    pruned_span_speaker_ids = speaker_ids[pruned_span_starts]
    return (span_emb, pruned_span_indices, pruned_span_starts, pruned_span_ends,
            pruned_span_emb, pruned_span_scores, pruned_span_speaker_ids)

if __name__ == "__main__":
    import jax
    _d = setup_inputs()
    print(jax.jit(kernel)(*tuple(_d.values())))

</pallas_src>

<mosaic_0001>
#map = affine_map<(d0, d1) -> (0, 0)>
#map1 = affine_map<(d0, d1) -> (0)>
module attributes {stable_mosaic.version = 14 : i64} {
  func.func @_sc_gather_kernel(%arg0: i32, %arg1: i32, %arg2: memref<2048x768xf32, #tpu.memory_space<hbm>>, %arg3: memref<20480xi32, #tpu.memory_space<hbm>>, %arg4: memref<20480x768xf32, #tpu.memory_space<hbm>>, %arg5: memref<128xi32, #tpu.memory_space<vmem>>, %arg6: memref<128x768xf32, #tpu.memory_space<vmem>>, %arg7: memref<!tpu.dma_semaphore, #tpu.memory_space<semaphore_mem>>) attributes {dimension_semantics = [#tpu.dimension_semantics<core_parallel>, #tpu.dimension_semantics<subcore_parallel>], iteration_bounds = array<i64: 2, 16>, scalar_prefetch = 0 : i64, scratch_operands = 3 : i64, tpu.core_type = #tpu.core_type<sc_vector_subcore>, window_params = [{transform_indices = #map}, {transform_indices = #map1}, {transform_indices = #map}]} {
    %mul3A = arith.constant 2 : i32
    %mul3A_0 = arith.muli %arg1, %mul3A : i32
    %add3A = arith.addi %mul3A_0, %arg0 : i32
    %mul3A_1 = arith.constant 640 : i32
    %mul3A_2 = arith.muli %add3A, %mul3A_1 : i32
    %scan3A = arith.constant 0 : i32
    %scan3A_3 = arith.constant 0 : i32
    %scan3A_4 = arith.constant 5 : i32
    %scan3A_5 = arith.addi %scan3A_3, %scan3A_4 : i32
    %scan3A_6 = arith.constant 1 : i32
    scf.for %scan3A_8 = %scan3A_3 to %scan3A_5 step %scan3A_6  : i32 {
      %mul3A_9 = arith.constant 128 : i32
      %mul3A_10 = arith.muli %scan3A_8, %mul3A_9 : i32
      %add3A_11 = arith.addi %mul3A_2, %mul3A_10 : i32
      "tpu.region"() ({
        %run_scoped3A = tpu.sem_alloc : memref<!tpu.dma_semaphore, #tpu.memory_space<semaphore_mem>>
        %dma_start3A_16 = tpu.memref_slice %arg3[%add3A_11] : memref<20480xi32, #tpu.memory_space<hbm>> -> memref<128xi32, #tpu.memory_space<hbm>>
        %dma_start3A_17 = tpu.memref_slice %arg3[%add3A_11] : memref<20480xi32, #tpu.memory_space<hbm>> -> memref<128xi32, #tpu.memory_space<hbm>>
        tpu.enqueue_dma source(%dma_start3A_17 : memref<128xi32, #tpu.memory_space<hbm>>) target(%arg5 : memref<128xi32, #tpu.memory_space<vmem>>) target_semaphore(%run_scoped3A : memref<!tpu.dma_semaphore, #tpu.memory_space<semaphore_mem>>)
        %dma_wait3A_18 = tpu.memref_slice %arg3[%add3A_11] : memref<20480xi32, #tpu.memory_space<hbm>> -> memref<128xi32, #tpu.memory_space<hbm>>
        %dma_wait3A_19 = tpu.memref_slice %arg3[%add3A_11] : memref<20480xi32, #tpu.memory_space<hbm>> -> memref<128xi32, #tpu.memory_space<hbm>>
        tpu.wait_dma2 semaphore(%run_scoped3A : memref<!tpu.dma_semaphore, #tpu.memory_space<semaphore_mem>>) src(%dma_wait3A_19 : memref<128xi32, #tpu.memory_space<hbm>>) dst(%arg5 : memref<128xi32, #tpu.memory_space<vmem>>)
        tpu.yield
      }) : () -> ()
      %dma_start3A = arith.constant 0 : i32
      %dma_start3A_12 = arith.constant 0 : i32
      %dma_start3A_13 = tpu.memref_slice %arg2[%dma_start3A, %dma_start3A_12] : memref<2048x768xf32, #tpu.memory_space<hbm>> -> memref<2048x768xf32, #tpu.memory_space<hbm>>
      tpu.enqueue_indirect_dma source(%dma_start3A_13 : memref<2048x768xf32, #tpu.memory_space<hbm>>) target(%arg6 : memref<128x768xf32, #tpu.memory_space<vmem>>) offsets(%arg5 : memref<128xi32, #tpu.memory_space<vmem>>) semaphore(%arg7 : memref<!tpu.dma_semaphore, #tpu.memory_space<semaphore_mem>>)
      %dma_wait3A = arith.constant 0 : i32
      %dma_wait3A_14 = arith.constant 0 : i32
      %dma_wait3A_15 = tpu.memref_slice %arg2[%dma_wait3A, %dma_wait3A_14] : memref<2048x768xf32, #tpu.memory_space<hbm>> -> memref<2048x768xf32, #tpu.memory_space<hbm>>
      tpu.wait_indirect_dma semaphore(%arg7 : memref<!tpu.dma_semaphore, #tpu.memory_space<semaphore_mem>>) src(%dma_wait3A_15 : memref<2048x768xf32, #tpu.memory_space<hbm>>) dst(%arg6 : memref<128x768xf32, #tpu.memory_space<vmem>>)
      "tpu.region"() ({
        %run_scoped3A = tpu.sem_alloc : memref<!tpu.dma_semaphore, #tpu.memory_space<semaphore_mem>>
        %dma_start3A_16 = arith.constant 0 : i32
        %dma_start3A_17 = tpu.memref_slice %arg4[%add3A_11, %dma_start3A_16] : memref<20480x768xf32, #tpu.memory_space<hbm>> -> memref<128x768xf32, #tpu.memory_space<hbm>>
        %dma_start3A_18 = arith.constant 0 : i32
        %dma_start3A_19 = tpu.memref_slice %arg4[%add3A_11, %dma_start3A_18] : memref<20480x768xf32, #tpu.memory_space<hbm>> -> memref<128x768xf32, #tpu.memory_space<hbm>>
        tpu.enqueue_dma source(%arg6 : memref<128x768xf32, #tpu.memory_space<vmem>>) target(%dma_start3A_19 : memref<128x768xf32, #tpu.memory_space<hbm>>) target_semaphore(%run_scoped3A : memref<!tpu.dma_semaphore, #tpu.memory_space<semaphore_mem>>)
        %dma_wait3A_20 = arith.constant 0 : i32
        %dma_wait3A_21 = tpu.memref_slice %arg4[%add3A_11, %dma_wait3A_20] : memref<20480x768xf32, #tpu.memory_space<hbm>> -> memref<128x768xf32, #tpu.memory_space<hbm>>
        %dma_wait3A_22 = arith.constant 0 : i32
        %dma_wait3A_23 = tpu.memref_slice %arg4[%add3A_11, %dma_wait3A_22] : memref<20480x768xf32, #tpu.memory_space<hbm>> -> memref<128x768xf32, #tpu.memory_space<hbm>>
        tpu.wait_dma2 semaphore(%run_scoped3A : memref<!tpu.dma_semaphore, #tpu.memory_space<semaphore_mem>>) src(%arg6 : memref<128x768xf32, #tpu.memory_space<vmem>>) dst(%dma_wait3A_23 : memref<128x768xf32, #tpu.memory_space<hbm>>)
        tpu.yield
      }) : () -> ()
    }
    %scan3A_7 = arith.constant 5 : i32
    return
  }
}

module attributes {stable_mosaic.version = 14 : i64} {
  func.func @_precompute_kernel(%arg0: memref<2048x768xf32, #tpu.memory_space<vmem>>, %arg1: memref<768x1xf32, #tpu.memory_space<vmem>>, %arg2: memref<1x1xf32, #tpu.memory_space<vmem>>, %arg3: memref<30x20xf32, #tpu.memory_space<vmem>>, %arg4: memref<20x1024xf32, #tpu.memory_space<vmem>>, %arg5: memref<1x1024xf32, #tpu.memory_space<vmem>>, %arg6: memref<1024x1xf32, #tpu.memory_space<vmem>>, %arg7: memref<1x1xf32, #tpu.memory_space<vmem>>, %arg8: memref<2048x1xf32, #tpu.memory_space<vmem>>, %arg9: memref<30x1xf32, #tpu.memory_space<vmem>>) attributes {dimension_semantics = [], scalar_prefetch = 0 : i64, scratch_operands = 0 : i64, tpu.core_type = #tpu.core_type<tc>} {
    %get3A = arith.constant 0 : index
    %get3A_0 = arith.constant 0 : index
    %get3A_1 = vector.load %arg0[%get3A, %get3A_0] : memref<2048x768xf32, #tpu.memory_space<vmem>>, vector<2048x768xf32>
    %get3A_2 = arith.constant 0 : index
    %get3A_3 = arith.constant 0 : index
    %get3A_4 = vector.load %arg1[%get3A_2, %get3A_3] : memref<768x1xf32, #tpu.memory_space<vmem>>, vector<768x1xf32>
    %dot_general3A = arith.constant dense<0.000000e+00> : vector<2048x1xf32>
    %dot_general3A_5 = tpu.matmul %get3A_1, %get3A_4, %dot_general3A {dimension_numbers = #tpu.dot_dimension_numbers<[1], [0], [0], [1], [0, 0, 1, 1], [], []>, transpose_lhs_hint = false} : vector<2048x768xf32>, vector<768x1xf32>, vector<2048x1xf32> -> vector<2048x1xf32>
    %get3A_6 = arith.constant 0 : index
    %get3A_7 = arith.constant 0 : index
    %get3A_8 = vector.load %arg2[%get3A_6, %get3A_7] : memref<1x1xf32, #tpu.memory_space<vmem>>, vector<1x1xf32>
    %get3A_9 = vector.extract %get3A_8[0, 0] : f32 from vector<1x1xf32>
    %add3A = vector.broadcast %get3A_9 : f32 to vector<2048x1xf32>
    %add3A_10 = arith.addf %dot_general3A_5, %add3A : vector<2048x1xf32>
    %swap3A = arith.constant 0 : index
    %swap3A_11 = arith.constant 0 : index
    %swap3A_12 = vector.load %arg8[%swap3A, %swap3A_11] : memref<2048x1xf32, #tpu.memory_space<vmem>>, vector<2048x1xf32>
    tpu.vector_store %arg8[%swap3A, %swap3A_11], %add3A_10 {strides = array<i32>} : memref<2048x1xf32, #tpu.memory_space<vmem>>, vector<2048x1xf32>,
    %get3A_13 = arith.constant 0 : index
    %get3A_14 = arith.constant 0 : index
    %get3A_15 = vector.load %arg3[%get3A_13, %get3A_14] : memref<30x20xf32, #tpu.memory_space<vmem>>, vector<30x20xf32>
    %get3A_16 = arith.constant 0 : index
    %get3A_17 = arith.constant 0 : index
    %get3A_18 = vector.load %arg4[%get3A_16, %get3A_17] : memref<20x1024xf32, #tpu.memory_space<vmem>>, vector<20x1024xf32>
    %dot_general3A_19 = arith.constant dense<0.000000e+00> : vector<30x1024xf32>
    %dot_general3A_20 = tpu.matmul %get3A_15, %get3A_18, %dot_general3A_19 {dimension_numbers = #tpu.dot_dimension_numbers<[1], [0], [0], [1], [0, 0, 1, 1], [], []>, transpose_lhs_hint = false} : vector<30x20xf32>, vector<20x1024xf32>, vector<30x1024xf32> -> vector<30x1024xf32>
    %get3A_21 = arith.constant 0 : index
    %get3A_22 = arith.constant 0 : index
    %get3A_23 = vector.load %arg5[%get3A_21, %get3A_22] : memref<1x1024xf32, #tpu.memory_space<vmem>>, vector<1x1024xf32>
    %add3A_24 = vector.broadcast %get3A_23 : vector<1x1024xf32> to vector<30x1024xf32>
    %add3A_25 = arith.addf %dot_general3A_20, %add3A_24 : vector<30x1024xf32>
    %max3A = arith.constant 0.000000e+00 : f32
    %max3A_26 = vector.broadcast %max3A : f32 to vector<30x1024xf32>
    %max3A_27 = arith.maximumf %add3A_25, %max3A_26 : vector<30x1024xf32>
    %get3A_28 = arith.constant 0 : index
    %get3A_29 = arith.constant 0 : index
    %get3A_30 = vector.load %arg6[%get3A_28, %get3A_29] : memref<1024x1xf32, #tpu.memory_space<vmem>>, vector<1024x1xf32>
    %dot_general3A_31 = arith.constant dense<0.000000e+00> : vector<30x1xf32>
    %dot_general3A_32 = tpu.matmul %max3A_27, %get3A_30, %dot_general3A_31 {dimension_numbers = #tpu.dot_dimension_numbers<[1], [0], [0], [1], [0, 0, 1, 1], [], []>, transpose_lhs_hint = false} : vector<30x1024xf32>, vector<1024x1xf32>, vector<30x1xf32> -> vector<30x1xf32>
    %get3A_33 = arith.constant 0 : index
    %get3A_34 = arith.constant 0 : index
    %get3A_35 = vector.load %arg7[%get3A_33, %get3A_34] : memref<1x1xf32, #tpu.memory_space<vmem>>, vector<1x1xf32>
    %get3A_36 = vector.extract %get3A_35[0, 0] : f32 from vector<1x1xf32>
    %add3A_37 = vector.broadcast %get3A_36 : f32 to vector<30x1xf32>
    %add3A_38 = arith.addf %dot_general3A_32, %add3A_37 : vector<30x1xf32>
    %swap3A_39 = arith.constant 0 : index
    %swap3A_40 = arith.constant 0 : index
    %swap3A_41 = vector.load %arg9[%swap3A_39, %swap3A_40] : memref<30x1xf32, #tpu.memory_space<vmem>>, vector<30x1xf32>
    tpu.vector_store %arg9[%swap3A_39, %swap3A_40], %add3A_38 {strides = array<i32>} : memref<30x1xf32, #tpu.memory_space<vmem>>, vector<30x1xf32>,
    return
  }
}

module attributes {stable_mosaic.version = 14 : i64} {
  func.func @_span_block_kernel(%arg0: i32, %arg1: memref<2048x768xf32, #tpu.memory_space<vmem>>, %arg2: memref<1x2048xf32, #tpu.memory_space<vmem>>, %arg3: memref<1x1x512xi32, #tpu.memory_space<vmem>>, %arg4: memref<1x1x512xi32, #tpu.memory_space<vmem>>, %arg5: memref<512x768xf32, #tpu.memory_space<vmem>>, %arg6: memref<512x768xf32, #tpu.memory_space<vmem>>, %arg7: memref<512x20xf32, #tpu.memory_space<vmem>>, %arg8: memref<2324x1024xf32, #tpu.memory_space<vmem>>, %arg9: memref<1x1024xf32, #tpu.memory_space<vmem>>, %arg10: memref<1024x1xf32, #tpu.memory_space<vmem>>, %arg11: memref<1x1xf32, #tpu.memory_space<vmem>>, %arg12: memref<1x32xf32, #tpu.memory_space<vmem>>, %arg13: memref<512x2324xf32, #tpu.memory_space<vmem>>, %arg14: memref<1x1x512xf32, #tpu.memory_space<vmem>>) attributes {dimension_semantics = [#tpu.dimension_semantics<arbitrary>], iteration_bounds = array<i64: 20>, scalar_prefetch = 0 : i64, scratch_operands = 0 : i64, tpu.core_type = #tpu.core_type<tc>, window_params = [{pipeline_mode = #tpu.pipeline_mode<synchronous>, transform_indices = @transform_0, window_bounds = array<i64: 2048, 768>}, {pipeline_mode = #tpu.pipeline_mode<synchronous>, transform_indices = @transform_1, window_bounds = array<i64: 1, 2048>}, {transform_indices = @transform_2, window_bounds = array<i64: 1, 1, 512>}, {transform_indices = @transform_3, window_bounds = array<i64: 1, 1, 512>}, {transform_indices = @transform_4, window_bounds = array<i64: 512, 768>}, {transform_indices = @transform_5, window_bounds = array<i64: 512, 768>}, {transform_indices = @transform_6, window_bounds = array<i64: 512, 20>}, {pipeline_mode = #tpu.pipeline_mode<synchronous>, transform_indices = @transform_7, window_bounds = array<i64: 2324, 1024>}, {pipeline_mode = #tpu.pipeline_mode<synchronous>, transform_indices = @transform_8, window_bounds = array<i64: 1, 1024>}, {pipeline_mode = #tpu.pipeline_mode<synchronous>, transform_indices = @transform_9, window_bounds = array<i64: 1024, 1>}, {pipeline_mode = #tpu.pipeline_mode<synchronous>, transform_indices = @transform_10, window_bounds = array<i64: 1, 1>}, {pipeline_mode = #tpu.pipeline_mode<synchronous>, transform_indices = @transform_11, window_bounds = array<i64: 1, 32>}, {transform_indices = @transform_12, window_bounds = array<i64: 512, 2324>}, {transform_indices = @transform_13, window_bounds = array<i64: 1, 1, 512>}]} {
    %get3A = arith.constant 0 : index
    %get3A_0 = arith.constant 0 : index
    %get3A_1 = arith.constant 0 : index
    %get3A_2 = vector.load %arg3[%get3A, %get3A_0, %get3A_1] : memref<1x1x512xi32, #tpu.memory_space<vmem>>, vector<1x1x512xi32>
    %get3A_3 = vector.shape_cast %get3A_2 : vector<1x1x512xi32> to vector<512xi32>
    %get3A_4 = arith.constant 0 : index
    %get3A_5 = arith.constant 0 : index
    %get3A_6 = arith.constant 0 : index
    %get3A_7 = vector.load %arg4[%get3A_4, %get3A_5, %get3A_6] : memref<1x1x512xi32, #tpu.memory_space<vmem>>, vector<1x1x512xi32>
    %get3A_8 = vector.shape_cast %get3A_7 : vector<1x1x512xi32> to vector<512xi32>
    %iota3A = tpu.iota {dimensions = array<i32: 1>} : vector<512x2048xi32>
    %broadcast_in_dim3A = vector.shape_cast %get3A_3 : vector<512xi32> to vector<512x1xi32>
    %ge3A = vector.broadcast %broadcast_in_dim3A : vector<512x1xi32> to vector<512x2048xi32>
    %ge3A_9 = arith.cmpi sge, %iota3A, %ge3A : vector<512x2048xi32>
    %broadcast_in_dim3A_10 = vector.shape_cast %get3A_8 : vector<512xi32> to vector<512x1xi32>
    %le3A = vector.broadcast %broadcast_in_dim3A_10 : vector<512x1xi32> to vector<512x2048xi32>
    %le3A_11 = arith.cmpi sle, %iota3A, %le3A : vector<512x2048xi32>
    %and3A = arith.andi %ge3A_9, %le3A_11 : vector<512x2048xi1>
    %get3A_12 = arith.constant 0 : index
    %get3A_13 = arith.constant 0 : index
    %get3A_14 = vector.load %arg2[%get3A_12, %get3A_13] : memref<1x2048xf32, #tpu.memory_space<vmem>>, vector<1x2048xf32>
    %get3A_15 = vector.shape_cast %get3A_14 : vector<1x2048xf32> to vector<2048xf32>
    %broadcast_in_dim3A_16 = vector.shape_cast %get3A_15 : vector<2048xf32> to vector<1x2048xf32>
    %jit3A = arith.constant 0xFF800000 : f32
    %broadcast_in_dim3A_17 = vector.shape_cast %broadcast_in_dim3A_16 : vector<1x2048xf32> to vector<1x2048xf32>
    %broadcast_in_dim3A_18 = vector.broadcast %broadcast_in_dim3A_17 : vector<1x2048xf32> to vector<512x2048xf32>
    %broadcast_in_dim3A_19 = vector.broadcast %jit3A : f32 to vector<512x2048xf32>
    %select_n3A = arith.select %and3A, %broadcast_in_dim3A_18, %broadcast_in_dim3A_19 : vector<512x2048xi1>, vector<512x2048xf32>
    %slice3A = vector.extract_strided_slice %select_n3A {offsets = [0, 0], sizes = [512, 1024], strides = [1, 1]} : vector<512x2048xf32> to vector<512x1024xf32>
    %slice3A_20 = vector.extract_strided_slice %select_n3A {offsets = [0, 1024], sizes = [512, 1024], strides = [1, 1]} : vector<512x2048xf32> to vector<512x1024xf32>
    %reduce_max3A = arith.constant dense<0xFF800000> : vector<512xf32>
    %reduce_max3A_21 = vector.multi_reduction <maximumf>, %slice3A, %reduce_max3A [1] : vector<512x1024xf32> to vector<512xf32>
    %broadcast_in_dim3A_22 = vector.shape_cast %reduce_max3A_21 : vector<512xf32> to vector<512x1xf32>
    %sub3A = vector.broadcast %broadcast_in_dim3A_22 : vector<512x1xf32> to vector<512x1024xf32>
    %sub3A_23 = arith.subf %slice3A, %sub3A : vector<512x1024xf32>
    %exp3A = math.exp %sub3A_23 : vector<512x1024xf32>
    %reduce_sum3A = arith.constant dense<0.000000e+00> : vector<512xf32>
    %reduce_sum3A_24 = vector.multi_reduction <add>, %exp3A, %reduce_sum3A [1] : vector<512x1024xf32> to vector<512xf32>
    %broadcast_in_dim3A_25 = vector.shape_cast %reduce_sum3A_24 : vector<512xf32> to vector<512x1xf32>
    %convert_element_type3A = arith.truncf %exp3A : vector<512x1024xf32> to vector<512x1024xbf16>
    %get3A_26 = arith.constant 0 : index
    %get3A_27 = arith.constant 0 : index
    %get3A_28 = vector.load %arg1[%get3A_26, %get3A_27] : memref<2048x768xf32, #tpu.memory_space<vmem>>, vector<1024x768xf32>
    %convert_element_type3A_29 = arith.truncf %get3A_28 : vector<1024x768xf32> to vector<1024x768xbf16>
    %dot_general3A = arith.constant dense<0.000000e+00> : vector<512x768xf32>
    %dot_general3A_30 = tpu.matmul %convert_element_type3A, %convert_element_type3A_29, %dot_general3A {dimension_numbers = #tpu.dot_dimension_numbers<[1], [0], [0], [1], [0, 0, 1, 1], [], []>, transpose_lhs_hint = false} : vector<512x1024xbf16>, vector<1024x768xbf16>, vector<512x768xf32> -> vector<512x768xf32>
    %reduce_max3A_31 = arith.constant dense<0xFF800000> : vector<512xf32>
    %reduce_max3A_32 = vector.multi_reduction <maximumf>, %slice3A_20, %reduce_max3A_31 [1] : vector<512x1024xf32> to vector<512xf32>
    %broadcast_in_dim3A_33 = vector.shape_cast %reduce_max3A_32 : vector<512xf32> to vector<512x1xf32>
    %max3A = arith.maximumf %broadcast_in_dim3A_22, %broadcast_in_dim3A_33 : vector<512x1xf32>
    %sub3A_34 = arith.subf %broadcast_in_dim3A_22, %max3A : vector<512x1xf32>
    %exp3A_35 = math.exp %sub3A_34 : vector<512x1xf32>
    %sub3A_36 = vector.broadcast %max3A : vector<512x1xf32> to vector<512x1024xf32>
    %sub3A_37 = arith.subf %slice3A_20, %sub3A_36 : vector<512x1024xf32>
    %exp3A_38 = math.exp %sub3A_37 : vector<512x1024xf32>
    %mul3A = arith.mulf %broadcast_in_dim3A_25, %exp3A_35 : vector<512x1xf32>
    %reduce_sum3A_39 = arith.constant dense<0.000000e+00> : vector<512xf32>
    %reduce_sum3A_40 = vector.multi_reduction <add>, %exp3A_38, %reduce_sum3A_39 [1] : vector<512x1024xf32> to vector<512xf32>
    %broadcast_in_dim3A_41 = vector.shape_cast %reduce_sum3A_40 : vector<512xf32> to vector<512x1xf32>
    %add3A = arith.addf %mul3A, %broadcast_in_dim3A_41 : vector<512x1xf32>
    %mul3A_42 = vector.broadcast %exp3A_35 : vector<512x1xf32> to vector<512x768xf32>
    %mul3A_43 = arith.mulf %dot_general3A_30, %mul3A_42 : vector<512x768xf32>
    %convert_element_type3A_44 = arith.truncf %exp3A_38 : vector<512x1024xf32> to vector<512x1024xbf16>
    %get3A_45 = arith.constant 1024 : index
    %get3A_46 = arith.constant 0 : index
    %get3A_47 = vector.load %arg1[%get3A_45, %get3A_46] : memref<2048x768xf32, #tpu.memory_space<vmem>>, vector<1024x768xf32>
    %convert_element_type3A_48 = arith.truncf %get3A_47 : vector<1024x768xf32> to vector<1024x768xbf16>
    %dot_general3A_49 = arith.constant dense<0.000000e+00> : vector<512x768xf32>
    %dot_general3A_50 = tpu.matmul %convert_element_type3A_44, %convert_element_type3A_48, %dot_general3A_49 {dimension_numbers = #tpu.dot_dimension_numbers<[1], [0], [0], [1], [0, 0, 1, 1], [], []>, transpose_lhs_hint = false} : vector<512x1024xbf16>, vector<1024x768xbf16>, vector<512x768xf32> -> vector<512x768xf32>
    %add3A_51 = arith.addf %mul3A_43, %dot_general3A_50 : vector<512x768xf32>
    %div3A = vector.broadcast %add3A : vector<512x1xf32> to vector<512x768xf32>
    %div3A_52 = arith.divf %add3A_51, %div3A : vector<512x768xf32>
    %get3A_53 = arith.constant 0 : index
    %get3A_54 = arith.constant 0 : index
    %get3A_55 = vector.load %arg5[%get3A_53, %get3A_54] : memref<512x768xf32, #tpu.memory_space<vmem>>, vector<512x768xf32>
    %get3A_56 = arith.constant 0 : index
    %get3A_57 = arith.constant 0 : index
    %get3A_58 = vector.load %arg6[%get3A_56, %get3A_57] : memref<512x768xf32, #tpu.memory_space<vmem>>, vector<512x768xf32>
    %get3A_59 = arith.constant 0 : index
    %get3A_60 = arith.constant 0 : index
    %get3A_61 = vector.load %arg7[%get3A_59, %get3A_60] : memref<512x20xf32, #tpu.memory_space<vmem>>, vector<512x20xf32>
    %concatenate3A = tpu.concatenate %get3A_55, %get3A_58, %get3A_61, %div3A_52 in 1 : vector<512x768xf32>, vector<512x768xf32>, vector<512x20xf32>, vector<512x768xf32> -> vector<512x2324xf32>
    %swap3A = arith.constant 0 : index
    %swap3A_62 = arith.constant 0 : index
    %swap3A_63 = vector.load %arg13[%swap3A, %swap3A_62] : memref<512x2324xf32, #tpu.memory_space<vmem>>, vector<512x2324xf32>
    tpu.vector_store %arg13[%swap3A, %swap3A_62], %concatenate3A {strides = array<i32>} : memref<512x2324xf32, #tpu.memory_space<vmem>>, vector<512x2324xf32>,
    %convert_element_type3A_64 = arith.truncf %concatenate3A : vector<512x2324xf32> to vector<512x2324xbf16>
    %get3A_65 = arith.constant 0 : index
    %get3A_66 = arith.constant 0 : index
    %get3A_67 = vector.load %arg8[%get3A_65, %get3A_66] : memref<2324x1024xf32, #tpu.memory_space<vmem>>, vector<2324x1024xf32>
    %convert_element_type3A_68 = arith.truncf %get3A_67 : vector<2324x1024xf32> to vector<2324x1024xbf16>
    %dot_general3A_69 = arith.constant dense<0.000000e+00> : vector<512x1024xf32>
    %dot_general3A_70 = tpu.matmul %convert_element_type3A_64, %convert_element_type3A_68, %dot_general3A_69 {dimension_numbers = #tpu.dot_dimension_numbers<[1], [0], [0], [1], [0, 0, 1, 1], [], []>, transpose_lhs_hint = false} : vector<512x2324xbf16>, vector<2324x1024xbf16>, vector<512x1024xf32> -> vector<512x1024xf32>
    %get3A_71 = arith.constant 0 : index
    %get3A_72 = arith.constant 0 : index
    %get3A_73 = vector.load %arg9[%get3A_71, %get3A_72] : memref<1x1024xf32, #tpu.memory_space<vmem>>, vector<1x1024xf32>
    %add3A_74 = vector.broadcast %get3A_73 : vector<1x1024xf32> to vector<512x1024xf32>
    %add3A_75 = arith.addf %dot_general3A_70, %add3A_74 : vector<512x1024xf32>
    %max3A_76 = arith.constant 0.000000e+00 : f32
    %max3A_77 = vector.broadcast %max3A_76 : f32 to vector<512x1024xf32>
    %max3A_78 = arith.maximumf %add3A_75, %max3A_77 : vector<512x1024xf32>
    %convert_element_type3A_79 = arith.truncf %max3A_78 : vector<512x1024xf32> to vector<512x1024xbf16>
    %get3A_80 = arith.constant 0 : index
    %get3A_81 = arith.constant 0 : index
    %get3A_82 = vector.load %arg10[%get3A_80, %get3A_81] : memref<1024x1xf32, #tpu.memory_space<vmem>>, vector<1024x1xf32>
    %convert_element_type3A_83 = arith.truncf %get3A_82 : vector<1024x1xf32> to vector<1024x1xbf16>
    %dot_general3A_84 = arith.constant dense<0.000000e+00> : vector<512x1xf32>
    %dot_general3A_85 = tpu.matmul %convert_element_type3A_79, %convert_element_type3A_83, %dot_general3A_84 {dimension_numbers = #tpu.dot_dimension_numbers<[1], [0], [0], [1], [0, 0, 1, 1], [], []>, transpose_lhs_hint = false} : vector<512x1024xbf16>, vector<1024x1xbf16>, vector<512x1xf32> -> vector<512x1xf32>
    %squeeze3A = vector.shape_cast %dot_general3A_85 : vector<512x1xf32> to vector<512xf32>
    %get3A_86 = arith.constant 0 : index
    %get3A_87 = arith.constant 0 : index
    %get3A_88 = vector.load %arg11[%get3A_86, %get3A_87] : memref<1x1xf32, #tpu.memory_space<vmem>>, vector<1x1xf32>
    %get3A_89 = vector.extract %get3A_88[0, 0] : f32 from vector<1x1xf32>
    %add3A_90 = vector.broadcast %get3A_89 : f32 to vector<512xf32>
    %add3A_91 = arith.addf %squeeze3A, %add3A_90 : vector<512xf32>
    %sub3A_92 = arith.subi %get3A_8, %get3A_3 : vector<512xi32>
    %broadcast_in_dim3A_93 = vector.shape_cast %sub3A_92 : vector<512xi32> to vector<512x1xi32>
    %iota3A_94 = tpu.iota {dimensions = array<i32: 1>} : vector<512x32xi32>
    %eq3A = vector.broadcast %broadcast_in_dim3A_93 : vector<512x1xi32> to vector<512x32xi32>
    %eq3A_95 = arith.cmpi eq, %eq3A, %iota3A_94 : vector<512x32xi32>
    %convert_element_type3A_96 = arith.extui %eq3A_95 : vector<512x32xi1> to vector<512x32xi32>
    %convert_element_type3A_97 = arith.sitofp %convert_element_type3A_96 : vector<512x32xi32> to vector<512x32xf32>
    %get3A_98 = arith.constant 0 : index
    %get3A_99 = arith.constant 0 : index
    %get3A_100 = vector.load %arg12[%get3A_98, %get3A_99] : memref<1x32xf32, #tpu.memory_space<vmem>>, vector<1x32xf32>
    %dot_general3A_101 = arith.constant dense<0.000000e+00> : vector<512x1xf32>
    %dot_general3A_102 = tpu.matmul %convert_element_type3A_97, %get3A_100, %dot_general3A_101 {dimension_numbers = #tpu.dot_dimension_numbers<[1], [1], [0], [0], [0, 0, 1, 0], [], []>, precision = #tpu.contract_precision<fp32>, transpose_lhs_hint = false} : vector<512x32xf32>, vector<1x32xf32>, vector<512x1xf32> -> vector<512x1xf32>
    %squeeze3A_103 = vector.shape_cast %dot_general3A_102 : vector<512x1xf32> to vector<512xf32>
    %add3A_104 = arith.addf %add3A_91, %squeeze3A_103 : vector<512xf32>
    %swap3A_105 = arith.constant 0 : index
    %swap3A_106 = arith.constant 0 : index
    %swap3A_107 = arith.constant 0 : index
    %swap3A_108 = vector.load %arg14[%swap3A_105, %swap3A_106, %swap3A_107] : memref<1x1x512xf32, #tpu.memory_space<vmem>>, vector<1x1x512xf32>
    %swap3A_109 = vector.shape_cast %swap3A_108 : vector<1x1x512xf32> to vector<512xf32>
    %swap3A_110 = vector.shape_cast %add3A_104 : vector<512xf32> to vector<1x1x512xf32>
    tpu.vector_store %arg14[%swap3A_105, %swap3A_106, %swap3A_107], %swap3A_110 {strides = array<i32>} : memref<1x1x512xf32, #tpu.memory_space<vmem>>, vector<1x1x512xf32>,
    return
  }
  func.func @transform_0(%arg0: i32) -> (i32, i32) {
    %c0_i32 = arith.constant 0 : i32
    %c0_i32_0 = arith.constant 0 : i32
    %c0_i32_1 = arith.constant 0 : i32
    return %c0_i32, %c0_i32_0 : i32, i32
  }
  func.func @transform_1(%arg0: i32) -> (i32, i32) {
    %c0_i32 = arith.constant 0 : i32
    %c0_i32_0 = arith.constant 0 : i32
    %c0_i32_1 = arith.constant 0 : i32
    return %c0_i32, %c0_i32_0 : i32, i32
  }
  func.func @transform_2(%arg0: i32) -> (i32, i32, i32) {
    %c0_i32 = arith.constant 0 : i32
    %c0_i32_0 = arith.constant 0 : i32
    %c0_i32_1 = arith.constant 0 : i32
    return %arg0, %c0_i32, %c0_i32_0 : i32, i32, i32
  }
  func.func @transform_3(%arg0: i32) -> (i32, i32, i32) {
    %c0_i32 = arith.constant 0 : i32
    %c0_i32_0 = arith.constant 0 : i32
    %c0_i32_1 = arith.constant 0 : i32
    return %arg0, %c0_i32, %c0_i32_0 : i32, i32, i32
  }
  func.func @transform_4(%arg0: i32) -> (i32, i32) {
    %c0_i32 = arith.constant 0 : i32
    %c0_i32_0 = arith.constant 0 : i32
    return %arg0, %c0_i32 : i32, i32
  }
  func.func @transform_5(%arg0: i32) -> (i32, i32) {
    %c0_i32 = arith.constant 0 : i32
    %c0_i32_0 = arith.constant 0 : i32
    return %arg0, %c0_i32 : i32, i32
  }
  func.func @transform_6(%arg0: i32) -> (i32, i32) {
    %c0_i32 = arith.constant 0 : i32
    %c0_i32_0 = arith.constant 0 : i32
    return %arg0, %c0_i32 : i32, i32
  }
  func.func @transform_7(%arg0: i32) -> (i32, i32) {
    %c0_i32 = arith.constant 0 : i32
    %c0_i32_0 = arith.constant 0 : i32
    %c0_i32_1 = arith.constant 0 : i32
    return %c0_i32, %c0_i32_0 : i32, i32
  }
  func.func @transform_8(%arg0: i32) -> (i32, i32) {
    %c0_i32 = arith.constant 0 : i32
    %c0_i32_0 = arith.constant 0 : i32
    %c0_i32_1 = arith.constant 0 : i32
    return %c0_i32, %c0_i32_0 : i32, i32
  }
  func.func @transform_9(%arg0: i32) -> (i32, i32) {
    %c0_i32 = arith.constant 0 : i32
    %c0_i32_0 = arith.constant 0 : i32
    %c0_i32_1 = arith.constant 0 : i32
    return %c0_i32, %c0_i32_0 : i32, i32
  }
  func.func @transform_10(%arg0: i32) -> (i32, i32) {
    %c0_i32 = arith.constant 0 : i32
    %c0_i32_0 = arith.constant 0 : i32
    %c0_i32_1 = arith.constant 0 : i32
    return %c0_i32, %c0_i32_0 : i32, i32
  }
  func.func @transform_11(%arg0: i32) -> (i32, i32) {
    %c0_i32 = arith.constant 0 : i32
    %c0_i32_0 = arith.constant 0 : i32
    %c0_i32_1 = arith.constant 0 : i32
    return %c0_i32, %c0_i32_0 : i32, i32
  }
  func.func @transform_12(%arg0: i32) -> (i32, i32) {
    %c0_i32 = arith.constant 0 : i32
    %c0_i32_0 = arith.constant 0 : i32
    return %arg0, %c0_i32 : i32, i32
  }
  func.func @transform_13(%arg0: i32) -> (i32, i32, i32) {
    %c0_i32 = arith.constant 0 : i32
    %c0_i32_0 = arith.constant 0 : i32
    %c0_i32_1 = arith.constant 0 : i32
    return %arg0, %c0_i32, %c0_i32_0 : i32, i32, i32
  }
}

</mosaic_0001>

<sc_bundles>
// kernel: kernel.5.cloned.1.call-start
scs
__scs_entry_jumppad:
0x0: {  	(pc) =	sbr.rel $0x88, $3  }
0x1: {  	(tag) =	ssettag $0x0;
	lr =	simm.s32 $0x1  }
0x2: {  	[smem:$0x3F91] =	sst lr;
	_ =	strace $0xD0000000  }
0x3: {  	_ = 	snop  }
0x4: {  	_ = 	snop  }
0x5: {  	_ = 	snop  }
0x6: {  	_ = 	snop  }
0x7: {  	_ = 	snop  }
__scs_overlays_trampoline_lowered:
0x8: {  	[smem:$0x3FA0] =	sst s0  }
0x9: {  	[smem:$0x3FA1] =	sst s1  }
0xa: {  	[smem:$0x3FA2] =	sst s2  }
0xb: {  	[smem:$0x3FA3] =	sst s3  }
0xc: {  	[smem:$0x3FA4] =	sst s4  }
0xd: {  	[smem:$0x3FA5] =	sst s5  }
0xe: {  	[smem:$0x3FA6] =	sst s6  }
0xf: {  	[smem:$0x3FA7] =	sst s7  }
0x10: {  	[smem:$0x3FA8] =	sst s8  }
0x11: {  	[smem:$0x3FA9] =	sst s9;
	s0 =	simm.s32 @!p0 $0x0  }
0x12: {  	s1 =	sld [smem:$0x3F8F];
	s0 =	simm.s32 @p0 $0x1  }
0x13: {  	[smem:$0x3FAA] =	sst s0;
	s0 =	simm.s32 @!p1 $0x0  }
0x14: {  	s2 =	sld [smem:$0x3F8E];
	s0 =	simm.s32 @p1 $0x1  }
0x15: {  	[smem:$0x3FAB] =	sst s0;
	s0 =	simm.s32 @!p2 $0x0  }
0x16: {  	s3 =	sld [smem:$0x3FDB];
	s0 =	simm.s32 @p2 $0x1  }
0x17: {  	s4 =	simm.s32 $0x1BF5;
	[smem:$0x3FAD] =	sst s0  }
0x18: {  	s0 =	sld [smem:$0x3F90];
	_ =	swait.ge [sflag:s4], $0x0  }
0x19: {  	s7 =	sld [smem:$0x3F91]  }
0x1a: {  	s8 =	sadd.s32 $0xFFFFE003, lr  }
0x1b: {  	s9 =	sadd.s32 $0xFFFFFEF7, lr;
	s5 =	simm.s32 $0xFFFFFFFF;
	p2 =	slt.u32 s8, $0xFFFFF086  }
0x1c: {  	p1 =	slt.u32 s9, $0xF7A;
	s5 =	simm.s32 @!p2 $0x0  }
0x1d: {  	s5 =	simm.s32 @p1 $0x1;
	p0 =	seq.s32 s7, s2  }
0x1e: {  	s7 =	smul.u32 @!p0 $0xF7A, s2;
	p2 =	seq.s32 @!p0 s5, $0x0  }
0x1f: {  	s9 =	smul.u32 $0xF7A, s1;
	s8 =	simm.s32 @!p0 $0x1BF5;
	p2 =	por !p2, p0  }
0x20: {  	[sflag:s8] =	ssyncset.s32 @!p0 $0xFFFFF086;
	s6 =	sadd.s32 @!p0 s3, s7;
	s7 =	simm.s32 @!p0 $0x108  }
0x21: {  	s3 =	sadd.s32 s3, s9;
	s6 =	sadd.s32 @!p0 $0x88, s6;
	s7 =	simm.s32 @p2 $0x1082  }
0x22: {  	[simem:s7], [sflag:s8] =	dma.local @!p0 [hbm:s6], $0xF7A  }
0x23: {  	s9 =	sor.u32 $0xD0000000, s2;
	s6 =	simm.s32 $0x108;
	_ =	swait.ge @!p0 [sflag:s8], $0x0  }
0x24: {  	s3 =	sadd.s32 $0x88, s3;
	s6 =	simm.s32 @!p1 $0x1082;
	[sflag:s4] =	ssyncset.s32 $0xFFFFF086  }
0x25: {  	[simem:s6], [sflag:s4] =	dma.local [hbm:s3], $0xF7A  }
0x26: {  	[smem:$0x3F91] =	sst s1;
	(tag) =	ssettag s2;
	_ =	strace s9  }
0x27: {  	s1 =	sld [smem:$0x3FA1]  }
0x28: {  	s2 =	sld [smem:$0x3FA2]  }
0x29: {  	s4 =	sld [smem:$0x3FA4]  }
0x2a: {  	p0 =	seq.s32 s5, $0x0;
	s5 =	sld [smem:$0x3FA5]  }
0x2b: {  	s6 =	sld [smem:$0x3FA6]  }
0x2c: {  	s7 =	sld [smem:$0x3FA7]  }
0x2d: {  	s3 =	simm.s32 $0x108;
	s8 =	sld [smem:$0x3FA8]  }
0x2e: {  	s3 =	simm.s32 @!p0 $0x1082;
	s9 =	sld [smem:$0x3FA9]  }
0x2f: {  	lr =	sadd.s32 s0, s3;
	s0 =	sld [smem:$0x3FA0]  }
0x30: {  	s3 =	sld [smem:$0x3FA3]  }
0x31: {  	[smem:$0x3FAC] =	sst s10  }
0x32: {  	s10 =	sld [smem:$0x3FAA];
	_ =	sdelay $0x3  }
0x33: {  	p0 =	seq.s32 s10, $0x1;
	s10 =	sld [smem:$0x3FAC];
	_ =	sdelay $0x3  }
0x34: {  	[smem:$0x3FAC] =	sst s10  }
0x35: {  	s10 =	sld [smem:$0x3FAB];
	_ =	sdelay $0x3  }
0x36: {  	p1 =	seq.s32 s10, $0x1;
	s10 =	sld [smem:$0x3FAC];
	_ =	sdelay $0x3  }
0x37: {  	[smem:$0x3FAC] =	sst s10  }
0x38: {  	s10 =	sld [smem:$0x3FAD]  }
0x39: {  	_ = 	snop;
	(pc) =	sbr.ind lr, $3  }
0x3a: {  	_ = 	snop  }
0x3b: {  	_ = 	snop  }
0x3c: {  	p2 =	seq.s32 s10, $0x1;
	s10 =	sld [smem:$0x3FAC]  }
0x3d: {  	_ =	shalt  }
0x3e: {  	_ =	shalt  }
0x3f: {  	_ =	shalt  }
0x40: {  	_ =	shalt  }
0x41: {  	_ =	shalt  }
0x42: {  	_ =	shalt  }
0x43: {  	_ =	shalt  }
0x44: {  	_ =	shalt  }
0x45: {  	_ =	shalt  }
0x46: {  	_ =	shalt  }
0x47: {  	_ =	shalt  }
0x48: {  	_ =	shalt  }
0x49: {  	_ =	shalt  }
0x4a: {  	_ =	shalt  }
0x4b: {  	_ =	shalt  }
0x4c: {  	_ =	shalt  }
0x4d: {  	_ =	shalt  }
0x4e: {  	_ =	shalt  }
0x4f: {  	_ =	shalt  }
0x50: {  	_ =	shalt  }
0x51: {  	_ =	shalt  }
0x52: {  	_ =	shalt  }
0x53: {  	_ =	shalt  }
0x54: {  	_ =	shalt  }
0x55: {  	_ =	shalt  }
0x56: {  	_ =	shalt  }
0x57: {  	_ =	shalt  }
0x58: {  	_ =	shalt  }
0x59: {  	_ =	shalt  }
0x5a: {  	_ =	shalt  }
0x5b: {  	_ =	shalt  }
0x5c: {  	_ =	shalt  }
0x5d: {  	_ =	shalt  }
0x5e: {  	_ =	shalt  }
0x5f: {  	_ =	shalt  }
0x60: {  	_ =	shalt  }
0x61: {  	_ =	shalt  }
0x62: {  	_ =	shalt  }
0x63: {  	_ =	shalt  }
0x64: {  	_ =	shalt  }
0x65: {  	_ =	shalt  }
0x66: {  	_ =	shalt  }
0x67: {  	_ =	shalt  }
0x68: {  	_ =	shalt  }
0x69: {  	_ =	shalt  }
0x6a: {  	_ =	shalt  }
0x6b: {  	_ =	shalt  }
0x6c: {  	_ =	shalt  }
0x6d: {  	_ =	shalt  }
0x6e: {  	_ =	shalt  }
0x6f: {  	_ =	shalt  }
0x70: {  	_ =	shalt  }
0x71: {  	_ =	shalt  }
0x72: {  	_ =	shalt  }
0x73: {  	_ =	shalt  }
0x74: {  	_ =	shalt  }
0x75: {  	_ =	shalt  }
0x76: {  	_ =	shalt  }
0x77: {  	_ =	shalt  }
0x78: {  	_ =	shalt  }
0x79: {  	_ =	shalt  }
0x7a: {  	_ =	shalt  }
0x7b: {  	_ =	shalt  }
0x7c: {  	_ =	shalt  }
0x7d: {  	_ =	shalt  }
0x7e: {  	_ =	shalt  }
0x7f: {  	_ =	shalt  }
0x80: {  	_ =	shalt  }
0x81: {  	_ =	shalt  }
0x82: {  	_ =	shalt  }
0x83: {  	_ =	shalt  }
0x84: {  	_ =	shalt  }
0x85: {  	_ =	shalt  }
0x86: {  	_ =	shalt  }
0x87: {  	_ =	shalt  }
.Lfunc_end0:
.L_simem_size_0:
called_computation_lowered:
.L_overlay_start_0:
0x88: {  	s2 =	sld [smem:$0x3FD9]  }
0x89: {  	s3 =	sld [smem:$0x3FFE];
	_ =	sdelay $0x1  }
0x8a: {  	s1 =	srdreg.scid  }
0x8b: {  	s0 =	sand.u32 $0x1, s1  }
0x8c: {  	s15 =	sshll.u32 s0, $0xA;
	s2 =	sadd.s32 s3, s2  }
0x8d: {  	s2 =	sadd.s32 s2, s15  }
0x8e: {  	[smem:$0x3FB8] =	sst s2  }
0x8f: {  	_ = 	snop  }
0x90: {  	s2 =	sld [smem:$0x3FD0];
	_ =	sdelay $0x2  }
0x91: {  	s4 =	simm.s32 $0xA;
	s5 =	simm.s32 $0x10;
	s16 =	sld [smem:$0x3FC9]  }
0x92: {  	[smem:s5], [sflag:s4] =	dma.local [hbm:s2], $0x1  }
0x93: {  	_ =	swait.eq [sflag:s4], $0x1  }
0x94: {  	[sflag:s4] =	ssyncset.done $0x0  }
0x95: {  	s17 =	sld [smem:$0x10];
	[sflag:s4] =	ssyncadd.s32 $0xFFFFFFFF  }
0x96: {  	s18 =	sld [smem:$0x14];
	(tm) =	ssettm $0x1  }
0x97: {  	s19 =	sld [smem:$0x3FFB];
	_ =	sdelay $0x3  }
0x98: {  	_ =	strace s19  }
0x99: {  	s5 =	sld [smem:$0x3FFC];
	_ =	sdelay $0x3  }
0x9a: {  	_ =	strace s5  }
0x9b: {  	s5 =	sld [smem:$0x3FFD];
	_ =	sdelay $0x3  }
0x9c: {  	_ =	strace s5  }
0x9d: {  	_ =	strace $0x8FFFFFFF  }
0x9e: {  	s20 =	sld [smem:$0x3FDB];
	_ =	sdelay $0x1  }
0x9f: {  	s6 =	simm.s32 $_scs_section_size  }
0xa0: {  	s7 =	simm.s32 $_size__tile_overlayer_lowered;
	s8 =	simm.s32 $_tile_overlayer_lowered  }
0xa1: {  	s23 =	simm.s32 $0x1BFF;
	s22 =	sshll.u32 s8, $0x1;
	s5 =	sadd.s32 s6, s20  }
0xa2: {  	s9 =	simm.s32 $0x0;
	s21 =	sshll.u32 s7, $0x1;
	s7 =	sadd.s32 s22, s5  }
0xa3: {  	[timem:s9], [sflag:s23] =	dma.local [hbm:s7], s21  }
0xa4: {  	_ =	swait.ge [sflag:s23], s21  }
0xa5: {  	s6 =	ssub.s32 $0x0, s21;
	[sflag:s23] =	ssyncset.done $0x0  }
0xa6: {  	[sflag:s23] =	ssyncadd.s32 s6;
	_ =	sdelay $0x1  }
0xa7: {  	s24 =	simm.s32 $0x1B8B  }
0xa8: {  	_ =	swait.ge [sflag:s24], $0x1  }
0xa9: {  	[sflag:s24] =	ssyncset.done $0x0  }
0xaa: {  	s25 =	simm.s32 $0x1B8E;
	[sflag:s24] =	ssyncadd.s32 $0xFFFFFFFF  }
0xab: {  	s26 =	simm.s32 $execute0_lowered;
	[smem:$0x3FD2] =	sst s25  }
0xac: {  	s6 =	sshll.u32 s26, $0x1;
	_ =	strace $0x80000046;
	[dreg:$0x1] =	wrdreg $0xFFFFFFFF  }
0xad: {  	s28 =	simm.s32 $_size_execute0_lowered;
	s5 =	sadd.s32 s5, s6;
	[dreg:$0x0] =	wrdreg $0x0  }
0xae: {  	s6 =	sshll.u32 s28, $0x1;
	[dreg:$0x2] =	wrdreg s5  }
0xaf: {  	[dreg:$0x3] =	wrdreg s6  }
0xb0: {  	[dreg:$0x4] =	wrdreg $0xC0  }
0xb1: {  	_ =	task [dreg:s9], $0x5FFFF  }
0xb2: {  	[dreg:$0x1] =	wrdreg $0xFFFFFFFF  }
0xb3: {  	[dreg:$0x0] =	wrdreg $0x60  }
0xb4: {  	[dreg:$0x2] =	wrdreg s16  }
0xb5: {  	[dreg:$0x3] =	wrdreg s18  }
0xb6: {  	[dreg:$0x4] =	wrdreg s17  }
0xb7: {  	[dreg:$0x5] =	wrdreg $0x9  }
0xb8: {  	_ =	task.clear_ibuf [dreg:s9], $0x6FFFF;
	_ =	strace $0x90000046  }
0xb9: {  	s29 =	simm.s32 $0x9;
	_ =	strace $0x80000048  }
0xba: {  	_ =	swait.ge [sflag:s29], $0x1  }
0xbb: {  	[sflag:s29] =	ssyncadd.s32 $0xFFFFFFFF  }
0xbc: {  	_ =	strace $0x90000048  }
0xbd: {  	_ =	sfence  }
0xbe: {  	s30 =	sld [smem:$0x0];
	_ =	sdelay $0x2  }
0xbf: {  	s31 =	sshll.u32 s1, $0xD;
	s1 =	sshrl.u32 s1, $0x2  }
0xc0: {  	s3 =	sand.u32 $0x4000, s31;
	s1 =	sadd.s32 s1, s30  }
0xc1: {  	s0 =	sor.u32 s3, s0;
	s1 =	sshll.u32 s1, $0x11  }
0xc2: {  	s0 =	sor.u32 s1, s0  }
0xc3: {  	s0 =	sadd.s32 $0x8F2B, s0  }
0xc4: {  	[sflag:s0] =	ssyncadd.remote.s32 $0x1  }
0xc5: {  	_ =	sfence.sel $0xFFFF  }
0xc6: {  	[dreg:$0x0] =	wrdreg $0xFFFFFFFF;
	(pc) =	sbr.abs _section_cstart, $3  }
0xc7: {  	[dreg:$0x1] =	wrdreg $0xFFFFFFFF  }
0xc8: {  	_ =	task.clear_ibuf [dreg:s9], $0x2FFFF;
	_ =	strace $0x9FFFFFFF  }
0xc9: {  	(tm) =	ssettm $0x7FFFFFFF  }
tec
execute0_lowered:
.L_overlay_start_1:
0x0: {  	(tag) =	ssettag $0x1  }
0x1: {  	s0 =	srdreg.scid;
	s2 =	rddreg [dreg:$0x0]  }
0x2: {  	s3 =	stileid.u32;
	s5 =	rddreg [dreg:$0x1];
	s1 =	sand.u32 $0x1, s0  }
0x3: {  	s4 =	smul.u32 $0x500, s3;
	s0 =	rddreg [dreg:$0x2];
	s3 =	simm.s32 $0x0  }
0x4: {  	s20 =	simm.s32 $0x880;
	[smem:$0x7FF] =	sst s3  }
0x5: {  	s21 =	simm.s32 $0x1080;
	_ =	strace $0x80000047;
	[dreg:$0x5] =	wrdreg s20  }
0x6: {  	s22 =	simm.s32 $0x1880;
	[dreg:$0x6] =	wrdreg s21  }
0x7: {  	s23 =	simm.s32 $0x2080;
	[dreg:$0x7] =	wrdreg s22  }
0x8: {  	s24 =	simm.s32 $0x2880;
	[dreg:$0x8] =	wrdreg s23  }
0x9: {  	s25 =	simm.s32 $0x3080;
	[dreg:$0x9] =	wrdreg s24  }
0xa: {  	s26 =	simm.s32 $0x3880;
	[dreg:$0xa] =	wrdreg s25  }
0xb: {  	s7 =	simm.s32 $0x4880;
	[dreg:$0xb] =	wrdreg s26  }
0xc: {  	s8 =	simm.s32 $0x5080;
	[dreg:$0xd] =	wrdreg s7  }
0xd: {  	s9 =	simm.s32 $0x5880;
	[dreg:$0xe] =	wrdreg s8  }
0xe: {  	s10 =	simm.s32 $0x6080;
	[dreg:$0xf] =	wrdreg s9  }
0xf: {  	s11 =	simm.s32 $0x6880;
	[dreg:$0x10] =	wrdreg s10  }
0x10: {  	s12 =	simm.s32 $0x7080;
	[dreg:$0x11] =	wrdreg s11  }
0x11: {  	s13 =	simm.s32 $0x7880;
	s14 =	simm.s32 $0x8080;
	[dreg:$0x12] =	wrdreg s12  }
0x12: {  	s15 =	simm.s32 $0x8880;
	s16 =	simm.s32 $0x9080;
	[dreg:$0x13] =	wrdreg s13  }
0x13: {  	s17 =	simm.s32 $0x9880;
	s18 =	simm.s32 $0xA080;
	[dreg:$0x14] =	wrdreg s14  }
0x14: {  	s19 =	simm.s32 $0xA880;
	s28 =	simm.s32 $0x17080;
	[dreg:$0x15] =	wrdreg s15  }
0x15: {  	s29 =	simm.s32 $0x17880;
	s30 =	simm.s32 $0x1;
	[dreg:$0x16] =	wrdreg s16  }
0x16: {  	s6 =	smul.u32 $0x280, s1;
	s1 =	ssub.s32 $0x2, s1;
	[dreg:$0x17] =	wrdreg s17  }
0x17: {  	s31 =	simm.s32 $0x0;
	[dreg:$0x18] =	wrdreg s18;
	s20 =	sshrl.u32 s1, $0x1  }
0x18: {  	[dreg:$0x19] =	wrdreg s19;
	s21 =	simm.s32 $0xB080;
	s22 =	simm.s32 $0xB880  }
0x19: {  	s7 =	simm.s32 $0xC080;
	s23 =	simm.s32 $0xC880;
	s24 =	simm.s32 $0xD080  }
0x1a: {  	s25 =	simm.s32 $0xD880;
	s26 =	simm.s32 $0xE080;
	s9 =	simm.s32 $0x80  }
0x1b: {  	s10 =	simm.s32 $0xE880;
	s11 =	simm.s32 $0xF080;
	[dreg:$0x1a] =	wrdreg s21  }
0x1c: {  	s12 =	simm.s32 $0xF880;
	s13 =	simm.s32 $0x10080;
	[dreg:$0x1b] =	wrdreg s22  }
0x1d: {  	s14 =	simm.s32 $0x10880;
	s15 =	simm.s32 $0x11080;
	[dreg:$0x1c] =	wrdreg s7  }
0x1e: {  	s16 =	simm.s32 $0x11880;
	s17 =	simm.s32 $0x12080;
	[dreg:$0x1d] =	wrdreg s23  }
0x1f: {  	s18 =	simm.s32 $0x12880;
	s19 =	simm.s32 $0x13080;
	[dreg:$0x1e] =	wrdreg s24  }
0x20: {  	s4 =	sadd.s32 s6, s4;
	s1 =	ssub.s32 s1, s20;
	[dreg:$0x1f] =	wrdreg s25  }
0x21: {  	[smem:$0x7FD] =	sst s26;
	s20 =	simm.s32 $0x13880;
	s21 =	simm.s32 $0x14080  }
0x22: {  	s22 =	simm.s32 $0x14880;
	s23 =	simm.s32 $0x15080;
	s24 =	simm.s32 $0x15880  }
0x23: {  	s25 =	simm.s32 $0x16080;
	s6 =	sshrl.u32 s4, $0x3;
	s1 =	smax.u32 s1, $0x1  }
0x24: {  	s4 =	sadd.s32 s6, s5;
	s8 =	smul.u32 $0x300, s6;
	[smem:$0x7FB] =	sst s1  }
0x25: {  	v2 =	vlaneseq.u32;
	s26 =	simm.s32 $0x16880;
	s5 =	simm.s32 $0x4080;
	[dreg:$0x4] =	wrdreg s4  }
0x26: {  	vm0 =	vmmov $0xffff;
	v1 =	vshrl.u32 v2, $0x3;
	[dreg:$0xc] =	wrdreg s5;
	s4 =	sadd.s32 $0x100, s2;
	s0 =	sadd.s32 s8, s0  }
0x27: {  	v0 =	vand.u32 $0x7, v2;
	v2 =	vor.u32 $0x8, v2;
	v1 =	vmul.u32 $0x8, v1;
	s5 =	sadd.s32 $0x200, s2;
	s8 =	simm.s32 $0x2;
	[smem:$0x7FC] =	sst s0  }
.LBB2_1:
0x28: {  	s1 =	simm.s32 $0x0;
	s7 =	sld [smem:$0x7FC]  }
.LBB2_2:
0x29: {  	s6 =	rddreg [dreg:$0x4]  }
0x2a: {  	s6 =	sadd.s32 s1, s6  }
0x2b: {  	[tilespmem:s3], [sflag:$0x2] =	stream.linear.gather [hbm4b:s6+s3], $0x80, $0x38;
	[tilespmem:$0x18080] =	vst v63  }
0x2c: {  	_ =	swait.ge [sflag:s8], $0x80  }
0x2d: {  	[sflag:s8] =	ssyncset.done $0x0  }
0x2e: {  	[sflag:s8] =	ssyncadd.s32 $0xFFFFFF80  }
0x2f: {  	v3 =	vld [tilespmem:$0x0];
	_ =	sdelay $0x4  }
0x30: {  	v4 =	vshrl.u32 v3, $0x3  }
0x31: {  	v4 =	vmul.u32 $0x30, v4  }
0x32: {  	v3 =	vand.u32 $0x7, v3  }
0x33: {  	v3 =	vor.u32 v3, v4  }
0x34: {  	v4 =	vperm.xlane v3, v0;
	_ =	sdelay $0x1  }
0x35: {  	v4 =	vadd.s32 v1, v4;
	_ =	sdelay $0x3  }
0x36: {  	v3 =	vperm.xlane v3, v2  }
0x37: {  	[tilespmem:s9], [sflag:$0x1] =	stream.indirect_vreg.gather [hbm4b:s2+s3], $0x80, v4, vm0, $0xb8;
	[tilespmem:$0x18080] =	vst v63  }
0x38: {  	s6 =	rddreg [dreg:$0x5];
	v3 =	vadd.s32 v1, v3  }
0x39: {  	[tilespmem:s6], [sflag:$0x1] =	stream.indirect_vreg.gather [hbm4b:s4+s3], $0x80, v4, vm0, $0xb8;
	[tilespmem:$0x18080] =	vst v63  }
0x3a: {  	s0 =	rddreg [dreg:$0x6]  }
0x3b: {  	[tilespmem:s0], [sflag:$0x1] =	stream.indirect_vreg.gather [hbm4b:s5+s3], $0x80, v4, vm0, $0xb8;
	[tilespmem:$0x18080] =	vst v63  }
0x3c: {  	s6 =	rddreg [dreg:$0x7]  }
0x3d: {  	[tilespmem:s6], [sflag:$0x1] =	stream.indirect_vreg.gather [hbm4b:s2+s3], $0x80, v3, vm0, $0xb8;
	[tilespmem:$0x18080] =	vst v63  }
0x3e: {  	s0 =	rddreg [dreg:$0x8]  }
0x3f: {  	[tilespmem:s0], [sflag:$0x1] =	stream.indirect_vreg.gather [hbm4b:s4+s3], $0x80, v3, vm0, $0xb8;
	[tilespmem:$0x18080] =	vst v63  }
0x40: {  	s6 =	rddreg [dreg:$0x9]  }
0x41: {  	[tilespmem:s6], [sflag:$0x1] =	stream.indirect_vreg.gather [hbm4b:s5+s3], $0x80, v3, vm0, $0xb8;
	[tilespmem:$0x18080] =	vst v63  }
0x42: {  	v3 =	vld [tilespmem:$0x10];
	_ =	sdelay $0x4  }
0x43: {  	v57 =	vshrl.u32 v3, $0x3  }
0x44: {  	v4 =	vmul.u32 $0x30, v57  }
0x45: {  	v3 =	vand.u32 $0x7, v3  }
0x46: {  	v3 =	vor.u32 v3, v4  }
0x47: {  	v4 =	vperm.xlane v3, v0;
	_ =	sdelay $0x1  }
0x48: {  	v4 =	vadd.s32 v1, v4;
	_ =	sdelay $0x3  }
0x49: {  	s0 =	rddreg [dreg:$0xa];
	v3 =	vperm.xlane v3, v2  }
0x4a: {  	[tilespmem:s0], [sflag:$0x1] =	stream.indirect_vreg.gather [hbm4b:s2+s3], $0x80, v4, vm0, $0xb8;
	[tilespmem:$0x18080] =	vst v63  }
0x4b: {  	s6 =	rddreg [dreg:$0xb];
	v3 =	vadd.s32 v1, v3  }
0x4c: {  	[tilespmem:s6], [sflag:$0x1] =	stream.indirect_vreg.gather [hbm4b:s4+s3], $0x80, v4, vm0, $0xb8;
	[tilespmem:$0x18080] =	vst v63  }
0x4d: {  	s0 =	rddreg [dreg:$0xc]  }
0x4e: {  	[tilespmem:s0], [sflag:$0x1] =	stream.indirect_vreg.gather [hbm4b:s5+s3], $0x80, v4, vm0, $0xb8;
	[tilespmem:$0x18080] =	vst v63  }
0x4f: {  	s6 =	rddreg [dreg:$0xd]  }
0x50: {  	[tilespmem:s6], [sflag:$0x1] =	stream.indirect_vreg.gather [hbm4b:s2+s3], $0x80, v3, vm0, $0xb8;
	[tilespmem:$0x18080] =	vst v63  }
0x51: {  	s0 =	rddreg [dreg:$0xe]  }
0x52: {  	[tilespmem:s0], [sflag:$0x1] =	stream.indirect_vreg.gather [hbm4b:s4+s3], $0x80, v3, vm0, $0xb8;
	[tilespmem:$0x18080] =	vst v63  }
0x53: {  	s6 =	rddreg [dreg:$0xf]  }
0x54: {  	[tilespmem:s6], [sflag:$0x1] =	stream.indirect_vreg.gather [hbm4b:s5+s3], $0x80, v3, vm0, $0xb8;
	[tilespmem:$0x18080] =	vst v63  }
0x55: {  	v3 =	vld [tilespmem:$0x20];
	_ =	sdelay $0x4  }
0x56: {  	v58 =	vshrl.u32 v3, $0x3  }
0x57: {  	v4 =	vmul.u32 $0x30, v58  }
0x58: {  	v3 =	vand.u32 $0x7, v3  }
0x59: {  	v3 =	vor.u32 v3, v4  }
0x5a: {  	v4 =	vperm.xlane v3, v0;
	_ =	sdelay $0x1  }
0x5b: {  	v4 =	vadd.s32 v1, v4;
	_ =	sdelay $0x3  }
0x5c: {  	s0 =	rddreg [dreg:$0x10];
	v3 =	vperm.xlane v3, v2  }
0x5d: {  	[tilespmem:s0], [sflag:$0x1] =	stream.indirect_vreg.gather [hbm4b:s2+s3], $0x80, v4, vm0, $0xb8;
	[tilespmem:$0x18080] =	vst v63  }
0x5e: {  	s6 =	rddreg [dreg:$0x11];
	v3 =	vadd.s32 v1, v3  }
0x5f: {  	[tilespmem:s6], [sflag:$0x1] =	stream.indirect_vreg.gather [hbm4b:s4+s3], $0x80, v4, vm0, $0xb8;
	[tilespmem:$0x18080] =	vst v63  }
0x60: {  	s0 =	rddreg [dreg:$0x12]  }
0x61: {  	[tilespmem:s0], [sflag:$0x1] =	stream.indirect_vreg.gather [hbm4b:s5+s3], $0x80, v4, vm0, $0xb8;
	[tilespmem:$0x18080] =	vst v63  }
0x62: {  	s6 =	rddreg [dreg:$0x13]  }
0x63: {  	[tilespmem:s6], [sflag:$0x1] =	stream.indirect_vreg.gather [hbm4b:s2+s3], $0x80, v3, vm0, $0xb8;
	[tilespmem:$0x18080] =	vst v63  }
0x64: {  	s0 =	rddreg [dreg:$0x14]  }
0x65: {  	[tilespmem:s0], [sflag:$0x1] =	stream.indirect_vreg.gather [hbm4b:s4+s3], $0x80, v3, vm0, $0xb8;
	[tilespmem:$0x18080] =	vst v63  }
0x66: {  	s6 =	rddreg [dreg:$0x15]  }
0x67: {  	[tilespmem:s6], [sflag:$0x1] =	stream.indirect_vreg.gather [hbm4b:s5+s3], $0x80, v3, vm0, $0xb8;
	[tilespmem:$0x18080] =	vst v63  }
0x68: {  	v3 =	vld [tilespmem:$0x30];
	_ =	sdelay $0x4  }
0x69: {  	v59 =	vshrl.u32 v3, $0x3  }
0x6a: {  	v4 =	vmul.u32 $0x30, v59  }
0x6b: {  	v3 =	vand.u32 $0x7, v3  }
0x6c: {  	v3 =	vor.u32 v3, v4  }
0x6d: {  	v4 =	vperm.xlane v3, v0;
	_ =	sdelay $0x1  }
0x6e: {  	v4 =	vadd.s32 v1, v4;
	_ =	sdelay $0x3  }
0x6f: {  	s0 =	rddreg [dreg:$0x16];
	v3 =	vperm.xlane v3, v2  }
0x70: {  	[tilespmem:s0], [sflag:$0x1] =	stream.indirect_vreg.gather [hbm4b:s2+s3], $0x80, v4, vm0, $0xb8;
	[tilespmem:$0x18080] =	vst v63  }
0x71: {  	s6 =	rddreg [dreg:$0x17];
	v3 =	vadd.s32 v1, v3  }
0x72: {  	[tilespmem:s6], [sflag:$0x1] =	stream.indirect_vreg.gather [hbm4b:s4+s3], $0x80, v4, vm0, $0xb8;
	[tilespmem:$0x18080] =	vst v63  }
0x73: {  	s0 =	rddreg [dreg:$0x18]  }
0x74: {  	[tilespmem:s0], [sflag:$0x1] =	stream.indirect_vreg.gather [hbm4b:s5+s3], $0x80, v4, vm0, $0xb8;
	[tilespmem:$0x18080] =	vst v63  }
0x75: {  	s6 =	rddreg [dreg:$0x19]  }
0x76: {  	[tilespmem:s6], [sflag:$0x1] =	stream.indirect_vreg.gather [hbm4b:s2+s3], $0x80, v3, vm0, $0xb8;
	[tilespmem:$0x18080] =	vst v63  }
0x77: {  	s0 =	rddreg [dreg:$0x1a]  }
0x78: {  	[tilespmem:s0], [sflag:$0x1] =	stream.indirect_vreg.gather [hbm4b:s4+s3], $0x80, v3, vm0, $0xb8;
	[tilespmem:$0x18080] =	vst v63  }
0x79: {  	s6 =	rddreg [dreg:$0x1b]  }
0x7a: {  	[tilespmem:s6], [sflag:$0x1] =	stream.indirect_vreg.gather [hbm4b:s5+s3], $0x80, v3, vm0, $0xb8;
	[tilespmem:$0x18080] =	vst v63  }
0x7b: {  	v3 =	vld [tilespmem:$0x40];
	_ =	sdelay $0x4  }
0x7c: {  	v60 =	vshrl.u32 v3, $0x3  }
0x7d: {  	v4 =	vmul.u32 $0x30, v60  }
0x7e: {  	v3 =	vand.u32 $0x7, v3  }
0x7f: {  	v3 =	vor.u32 v3, v4  }
0x80: {  	v4 =	vperm.xlane v3, v0;
	_ =	sdelay $0x1  }
0x81: {  	v4 =	vadd.s32 v1, v4;
	_ =	sdelay $0x2  }
0x82: {  	s0 =	rddreg [dreg:$0x1c]  }
0x83: {  	s6 =	rddreg [dreg:$0x1d];
	v3 =	vperm.xlane v3, v2  }
0x84: {  	[tilespmem:s0], [sflag:$0x1] =	stream.indirect_vreg.gather [hbm4b:s2+s3], $0x80, v4, vm0, $0xb8;
	[tilespmem:$0x18080] =	vst v63  }
0x85: {  	v3 =	vadd.s32 v1, v3;
	s0 =	rddreg [dreg:$0x1e]  }
0x86: {  	[tilespmem:s6], [sflag:$0x1] =	stream.indirect_vreg.gather [hbm4b:s4+s3], $0x80, v4, vm0, $0xb8;
	[tilespmem:$0x18080] =	vst v63  }
0x87: {  	s6 =	rddreg [dreg:$0x1f]  }
0x88: {  	[tilespmem:s0], [sflag:$0x1] =	stream.indirect_vreg.gather [hbm4b:s5+s3], $0x80, v4, vm0, $0xb8;
	[tilespmem:$0x18080] =	vst v63  }
0x89: {  	s0 =	sld [smem:$0x7FD]  }
0x8a: {  	[tilespmem:s6], [sflag:$0x1] =	stream.indirect_vreg.gather [hbm4b:s2+s3], $0x80, v3, vm0, $0xb8;
	[tilespmem:$0x18080] =	vst v63  }
0x8b: {  	_ = 	snop  }
0x8c: {  	[tilespmem:s0], [sflag:$0x1] =	stream.indirect_vreg.gather [hbm4b:s4+s3], $0x80, v3, vm0, $0xb8;
	[tilespmem:$0x18080] =	vst v63  }
0x8d: {  	_ = 	snop  }
0x8e: {  	[tilespmem:s10], [sflag:$0x1] =	stream.indirect_vreg.gather [hbm4b:s5+s3], $0x80, v3, vm0, $0xb8;
	[tilespmem:$0x18080] =	vst v63  }
0x8f: {  	v3 =	vld [tilespmem:$0x50];
	_ =	sdelay $0x4  }
0x90: {  	v61 =	vshrl.u32 v3, $0x3  }
0x91: {  	v4 =	vmul.u32 $0x30, v61  }
0x92: {  	v3 =	vand.u32 $0x7, v3  }
0x93: {  	v3 =	vor.u32 v3, v4  }
0x94: {  	v4 =	vperm.xlane v3, v0;
	_ =	sdelay $0x1  }
0x95: {  	v4 =	vadd.s32 v1, v4;
	_ =	sdelay $0x3  }
0x96: {  	v3 =	vperm.xlane v3, v2  }
0x97: {  	[tilespmem:s11], [sflag:$0x1] =	stream.indirect_vreg.gather [hbm4b:s2+s3], $0x80, v4, vm0, $0xb8;
	[tilespmem:$0x18080] =	vst v63  }
0x98: {  	v3 =	vadd.s32 v1, v3  }
0x99: {  	[tilespmem:s12], [sflag:$0x1] =	stream.indirect_vreg.gather [hbm4b:s4+s3], $0x80, v4, vm0, $0xb8;
	[tilespmem:$0x18080] =	vst v63  }
0x9a: {  	_ = 	snop  }
0x9b: {  	[tilespmem:s13], [sflag:$0x1] =	stream.indirect_vreg.gather [hbm4b:s5+s3], $0x80, v4, vm0, $0xb8;
	[tilespmem:$0x18080] =	vst v63  }
0x9c: {  	_ = 	snop  }
0x9d: {  	[tilespmem:s14], [sflag:$0x1] =	stream.indirect_vreg.gather [hbm4b:s2+s3], $0x80, v3, vm0, $0xb8;
	[tilespmem:$0x18080] =	vst v63  }
0x9e: {  	_ = 	snop  }
0x9f: {  	[tilespmem:s15], [sflag:$0x1] =	stream.indirect_vreg.gather [hbm4b:s4+s3], $0x80, v3, vm0, $0xb8;
	[tilespmem:$0x18080] =	vst v63  }
0xa0: {  	_ = 	snop  }
0xa1: {  	[tilespmem:s16], [sflag:$0x1] =	stream.indirect_vreg.gather [hbm4b:s5+s3], $0x80, v3, vm0, $0xb8;
	[tilespmem:$0x18080] =	vst v63  }
0xa2: {  	v3 =	vld [tilespmem:$0x60];
	_ =	sdelay $0x4  }
0xa3: {  	v62 =	vshrl.u32 v3, $0x3  }
0xa4: {  	v4 =	vmul.u32 $0x30, v62  }
0xa5: {  	v3 =	vand.u32 $0x7, v3  }
0xa6: {  	v3 =	vor.u32 v3, v4  }
0xa7: {  	v4 =	vperm.xlane v3, v0;
	_ =	sdelay $0x1  }
0xa8: {  	v4 =	vadd.s32 v1, v4;
	_ =	sdelay $0x3  }
0xa9: {  	v3 =	vperm.xlane v3, v2  }
0xaa: {  	[tilespmem:s17], [sflag:$0x1] =	stream.indirect_vreg.gather [hbm4b:s2+s3], $0x80, v4, vm0, $0xb8;
	[tilespmem:$0x18080] =	vst v63  }
0xab: {  	v3 =	vadd.s32 v1, v3  }
0xac: {  	[tilespmem:s18], [sflag:$0x1] =	stream.indirect_vreg.gather [hbm4b:s4+s3], $0x80, v4, vm0, $0xb8;
	[tilespmem:$0x18080] =	vst v63  }
0xad: {  	_ = 	snop  }
0xae: {  	[tilespmem:s19], [sflag:$0x1] =	stream.indirect_vreg.gather [hbm4b:s5+s3], $0x80, v4, vm0, $0xb8;
	[tilespmem:$0x18080] =	vst v63  }
0xaf: {  	_ = 	snop  }
0xb0: {  	[tilespmem:s20], [sflag:$0x1] =	stream.indirect_vreg.gather [hbm4b:s2+s3], $0x80, v3, vm0, $0xb8;
	[tilespmem:$0x18080] =	vst v63  }
0xb1: {  	_ = 	snop  }
0xb2: {  	[tilespmem:s21], [sflag:$0x1] =	stream.indirect_vreg.gather [hbm4b:s4+s3], $0x80, v3, vm0, $0xb8;
	[tilespmem:$0x18080] =	vst v63  }
0xb3: {  	_ = 	snop  }
0xb4: {  	[tilespmem:s22], [sflag:$0x1] =	stream.indirect_vreg.gather [hbm4b:s5+s3], $0x80, v3, vm0, $0xb8;
	[tilespmem:$0x18080] =	vst v63  }
0xb5: {  	v3 =	vld [tilespmem:$0x70];
	_ =	sdelay $0x4  }
0xb6: {  	v63 =	vshrl.u32 v3, $0x3  }
0xb7: {  	v4 =	vmul.u32 $0x30, v63  }
0xb8: {  	v3 =	vand.u32 $0x7, v3  }
0xb9: {  	v3 =	vor.u32 v3, v4  }
0xba: {  	v4 =	vperm.xlane v3, v0;
	_ =	sdelay $0x1  }
0xbb: {  	v4 =	vadd.s32 v1, v4;
	_ =	sdelay $0x3  }
0xbc: {  	v3 =	vperm.xlane v3, v2  }
0xbd: {  	[tilespmem:s23], [sflag:$0x1] =	stream.indirect_vreg.gather [hbm4b:s2+s3], $0x80, v4, vm0, $0xb8;
	[tilespmem:$0x18080] =	vst v63  }
0xbe: {  	v3 =	vadd.s32 v1, v3  }
0xbf: {  	[tilespmem:s24], [sflag:$0x1] =	stream.indirect_vreg.gather [hbm4b:s4+s3], $0x80, v4, vm0, $0xb8;
	[tilespmem:$0x18080] =	vst v63  }
0xc0: {  	_ = 	snop  }
0xc1: {  	[tilespmem:s25], [sflag:$0x1] =	stream.indirect_vreg.gather [hbm4b:s5+s3], $0x80, v4, vm0, $0xb8;
	[tilespmem:$0x18080] =	vst v63  }
0xc2: {  	_ = 	snop  }
0xc3: {  	[tilespmem:s26], [sflag:$0x1] =	stream.indirect_vreg.gather [hbm4b:s2+s3], $0x80, v3, vm0, $0xb8;
	[tilespmem:$0x18080] =	vst v63  }
0xc4: {  	_ = 	snop  }
0xc5: {  	[tilespmem:s28], [sflag:$0x1] =	stream.indirect_vreg.gather [hbm4b:s4+s3], $0x80, v3, vm0, $0xb8;
	[tilespmem:$0x18080] =	vst v63  }
0xc6: {  	_ = 	snop  }
0xc7: {  	[tilespmem:s29], [sflag:$0x1] =	stream.indirect_vreg.gather [hbm4b:s5+s3], $0x80, v3, vm0, $0xb8;
	[tilespmem:$0x18080] =	vst v63  }
0xc8: {  	_ =	swait.ge [sflag:s30], $0x18000  }
0xc9: {  	p0 =	sne.s32 s1, $0x40;
	[sflag:s30] =	ssyncset.done $0x0  }
.Ltmp0:
0xca: {  	[sflag:s30] =	ssyncadd.s32 $0xFFFE8000;
	(pc) =	sbr.rel @p0 .LBB2_2-.Ltmp0, $4  }
0xcb: {  	[hbm4b:s7+s3] =	stream.linear.scatter [tilespmem:s9], [sflag:$0x2], $0x18000, $0x38;
	[tilespmem:$0x18080] =	vst v63  }
0xcc: {  	_ =	swait.ge [sflag:s8], $0x18000  }
0xcd: {  	[sflag:s8] =	ssyncset.done $0x0  }
0xce: {  	s1 =	sadd.s32 $0x10, s1;
	s7 =	sadd.s32 $0x3000, s7;
	[sflag:s8] =	ssyncadd.s32 $0xFFFE8000  }
0xcf: {  	s0 =	sld [smem:$0x7FB];
	_ =	sdelay $0x1  }
0xd0: {  	s31 =	sadd.s32 $0x1, s31  }
0xd1: {  	p0 =	sne.s32 s31, s0  }
.Ltmp1:
0xd2: {  	_ = 	snop;
	(pc) =	sbr.rel @p0 .LBB2_1-.Ltmp1, $1  }
0xd3: {  	_ =	sdelay $0x3  }
0xd4: {  	_ =	sfence.sel $0x180000  }
0xd5: {  	[bflag:$0x0] =	sbarrier.arrive $0xFFFF  }
0xd6: {  	_ =	strace $0x90000047  }
0xd7: {  	s0 =	stileid.u32;
	[bflag:$0x2] =	sbarrier.arrive $0xFFFF  }
0xd8: {  	p0 =	sne.s32 s0, $0x0;
	s0 =	rddreg [dreg:$0x3]  }
0xd9: {  	s0 =	sadd.s32 @!p0 $0x100000, s0  }
0xda: {  	[sflag:s0] =	ssyncadd.tile.s32 @!p0 $0x1;
	_ =	shalt  }
.Lfunc_end2:
_tile_overlayer_lowered:
.L_overlay_start_2:
0xdb: {  	(tag) =	ssettag $0x2  }
0xdc: {  	s0 =	rddreg [dreg:$0x0];
	s2 =	stileid.u32  }
0xdd: {  	s1 =	rddreg [dreg:$0x1];
	p0 =	sne.s32 s2, $0x0  }
0xde: {  	s3 =	rddreg [dreg:$0x2];
	[bflag:$0x3] =	sbarrier.arrive $0xFFFF;
	s2 =	simm.s32 @!p0 $0x1C02  }
0xdf: {  	[timem:s3], [sflag:s2] =	dma.local @!p0 [hbm:s0], s1  }
0xe0: {  	s0 =	simm.s32 @!p0 $0x2  }
0xe1: {  	_ =	swait.ge @!p0 [sflag:s0], s1  }
0xe2: {  	s1 =	ssub.s32 @!p0 $0x0, s1;
	[sflag:s0] =	ssyncset.done @!p0 $0x0  }
0xe3: {  	[sflag:s0] =	ssyncadd.s32 @!p0 s1  }
0xe4: {  	[bflag:$0x3] =	sbarrier.arrive $0xFFFF  }
0xe5: {  	_ =	shalt  }

</sc_bundles>
